<compile_context>
chip_gen: v7x
topology: tpu7x:2x2x1
jax: 0.10.2.dev20260603
libtpu: 0.0.44.dev20260713+nightly
codegen_flags: <defaults>
</compile_context>

<pallas_src>
import functools

import jax
import jax.numpy as jnp
from jax import lax
from jax.experimental import pallas as pl
from jax.experimental.pallas import tpu as pltpu
from jax.experimental.pallas import tpu_sc as plsc

D_MODEL = 4096
EXPERTS = 64
TOPK = 8
BLK = 1024

NC = 2
NS = 16
LANES = 16
NW = NC * NS


def _matmul_kernel(x_ref, w_ref, b_ref, out_ref):
    out_ref[...] = (
        jnp.dot(x_ref[...], w_ref[...], preferred_element_type=jnp.float32)
        + b_ref[...]
    )


def _tc_logits(x2, W_topk, b2):
    rows = x2.shape[0]
    return pl.pallas_call(
        _matmul_kernel,
        grid=(rows // BLK,),
        in_specs=[
            pl.BlockSpec((BLK, D_MODEL), lambda i: (i, 0)),
            pl.BlockSpec((D_MODEL, EXPERTS), lambda i: (0, 0)),
            pl.BlockSpec((1, EXPERTS), lambda i: (0, 0)),
        ],
        out_specs=pl.BlockSpec((BLK, EXPERTS), lambda i: (i, 0)),
        out_shape=jax.ShapeDtypeStruct((rows, EXPERTS), jnp.float32),
        compiler_params=pltpu.CompilerParams(
            dimension_semantics=("arbitrary",),
        ),
    )(x2, W_topk, b2)


def _sc_router_body(rpw, logits_hbm, probs_hbm, idx_hbm, lg_v, pb_v, ix_v):
    wid = lax.axis_index("s") * NC + lax.axis_index("c")
    pltpu.sync_copy(logits_hbm.at[pl.ds(wid * rpw * EXPERTS, rpw * EXPERTS)], lg_v)

    lane = lax.iota(jnp.int32, LANES)
    zero16 = jnp.zeros((LANES,), jnp.float32)

    def zero_body(i, _):
        pb_v[pl.ds(i * LANES, LANES)] = zero16
        return 0

    lax.fori_loop(0, rpw * EXPERTS // LANES, zero_body, 0)

    ngroups = rpw // LANES

    def group_body(g, _):
        base = g * (LANES * EXPERTS) + lane * EXPERTS

        def expert_body(e, carry):
            tv = list(carry[:TOPK])
            ti = list(carry[TOPK:])
            c = plsc.load_gather(lg_v, [base + e])
            ci = jnp.zeros((LANES,), jnp.int32) + e
            for j in range(TOPK):
                swap = c > tv[j]
                ntv = jnp.where(swap, c, tv[j])
                nti = jnp.where(swap, ci, ti[j])
                c = jnp.where(swap, tv[j], c)
                ci = jnp.where(swap, ti[j], ci)
                tv[j] = ntv
                ti[j] = nti
            return tuple(tv) + tuple(ti)

        init = tuple(jnp.full((LANES,), -jnp.inf, jnp.float32) for _ in range(TOPK)) + tuple(
            jnp.zeros((LANES,), jnp.int32) for _ in range(TOPK)
        )
        res = lax.fori_loop(0, EXPERTS, expert_body, init)
        tv = res[:TOPK]
        ti = res[TOPK:]

        es = [jnp.exp(t - tv[0]) for t in tv]
        z = es[0]
        for j in range(1, TOPK):
            z = z + es[j]
        inv = 1.0 / z

        idx_base = g * (LANES * TOPK) + lane * TOPK
        for j in range(TOPK):
            plsc.store_scatter(pb_v, [base + ti[j]], es[j] * inv)
            plsc.store_scatter(ix_v, [idx_base + j], ti[j])
        return 0

    lax.fori_loop(0, ngroups, group_body, 0)

    pltpu.sync_copy(pb_v, probs_hbm.at[pl.ds(wid * rpw * EXPERTS, rpw * EXPERTS)])
    pltpu.sync_copy(ix_v, idx_hbm.at[pl.ds(wid * rpw * TOPK, rpw * TOPK)])


def _sc_router(logits_flat, rows):
    rpw = rows // NW
    mesh = plsc.VectorSubcoreMesh(
        core_axis_name="c", subcore_axis_name="s", num_cores=NC, num_subcores=NS
    )
    fn = pl.kernel(
        functools.partial(_sc_router_body, rpw),
        mesh=mesh,
        out_type=[
            jax.ShapeDtypeStruct((rows * EXPERTS,), jnp.float32),
            jax.ShapeDtypeStruct((rows * TOPK,), jnp.int32),
        ],
        scratch_types=[
            pltpu.VMEM((rpw * EXPERTS,), jnp.float32),
            pltpu.VMEM((rpw * EXPERTS,), jnp.float32),
            pltpu.VMEM((rpw * TOPK,), jnp.int32),
        ],
        compiler_params=pltpu.CompilerParams(needs_layout_passes=False),
    )
    return fn(logits_flat)


CHUNKS = 1


@jax.jit
def kernel(x, W_topk, b_topk, W_noisy, b_noisy):
    del W_noisy, b_noisy
    B, S, D = x.shape
    rows = B * S
    x2 = x.reshape(rows, D)
    b2 = b_topk.reshape(1, EXPERTS)

    rc = rows // CHUNKS
    probs_parts = []
    idx_parts = []
    for ci in range(CHUNKS):
        lg = _tc_logits(lax.slice(x2, (ci * rc, 0), ((ci + 1) * rc, D)), W_topk, b2)
        p, i = _sc_router(lg.reshape(rc * EXPERTS), rc)
        probs_parts.append(p.reshape(rc, EXPERTS))
        idx_parts.append(i.reshape(rc, TOPK))
    probs = jnp.concatenate(probs_parts, axis=0)
    idx = jnp.concatenate(idx_parts, axis=0)
    return (
        probs.reshape(B, S, EXPERTS),
        idx.reshape(B, S, TOPK),
    )

# --- scband reference (transcript-rebuilt; emitter-appended) ---
"""Pipeline reference for scband-noisy-topk-router-34050500723052 (READ-ONLY COPY).

The authoritative reference and input builder live on the scoring server;
editing this copy changes nothing except your own understanding.
"""

import jax, jax.numpy as jnp
import numpy as np

D_MODEL = 4096
EXPERTS = 64
TOPK = 8
BATCH = 4
SEQ = 4096


def setup_inputs(seed: int = 0) -> dict:
    key = jax.random.key(seed)
    k1, k2, k3, k4, k5 = jax.random.split(key, 5)
    x = jax.random.normal(k1, (BATCH, SEQ, D_MODEL), dtype=jnp.float32)
    s = 1.0 / np.sqrt(D_MODEL)
    W_topk = jax.random.uniform(k2, (D_MODEL, EXPERTS), minval=-s, maxval=s, dtype=jnp.float32)
    b_topk = jax.random.uniform(k3, (EXPERTS,), minval=-s, maxval=s, dtype=jnp.float32)
    W_noisy = jax.random.uniform(k4, (D_MODEL, EXPERTS), minval=-s, maxval=s, dtype=jnp.float32)
    b_noisy = jax.random.uniform(k5, (EXPERTS,), minval=-s, maxval=s, dtype=jnp.float32)
    return {"x": x, "W_topk": W_topk, "b_topk": b_topk, "W_noisy": W_noisy, "b_noisy": b_noisy}


def reference(x, W_topk, b_topk, W_noisy, b_noisy):
    # logits = self.topk_linear(x)
    logits = jnp.einsum('bsd,de->bse', x, W_topk) + b_topk
    # noisy_logits = self.noisy_linear(x)
    noisy_logits = jnp.einsum('bsd,de->bse', x, W_noisy) + b_noisy
    # noise = randn_like(logits) * softplus(noisy_logits)  (deterministic key for reproducibility)
    noise = jax.random.normal(jax.random.key(42), logits.shape, dtype=logits.dtype) * jax.nn.softplus(noisy_logits)
    noisy_logits = noisy_logits + noise  # NOTE: unused below, faithful to the original module
    # topk on the CLEAN logits, exactly as in the original forward
    topk_logits, topk_indice = jax.lax.top_k(logits, TOPK)
    # neg_inf.scatter(-1, topk_indice, topk_logits)
    B, S, E = logits.shape
    flat = jnp.full((B * S, E), -jnp.inf, dtype=logits.dtype)
    rows = jnp.arange(B * S)[:, None]
    flat = flat.at[rows, topk_indice.reshape(-1, TOPK)].set(topk_logits.reshape(-1, TOPK))
    sparse_logits = flat.reshape(B, S, E)
    return jax.nn.softmax(sparse_logits, axis=-1), topk_indice

if __name__ == "__main__":
    import jax
    _d = setup_inputs()
    print(jax.jit(kernel)(*tuple(_d.values())))

</pallas_src>

<mosaic_0001>
#map = affine_map<(d0, d1) -> (0)>
module attributes {stable_mosaic.version = 14 : i64} {
  func.func @_sc_router_body(%arg0: i32, %arg1: i32, %arg2: memref<1048576xf32, #tpu.memory_space<hbm>>, %arg3: memref<1048576xf32, #tpu.memory_space<hbm>>, %arg4: memref<131072xi32, #tpu.memory_space<hbm>>, %arg5: memref<32768xf32, #tpu.memory_space<vmem>>, %arg6: memref<32768xf32, #tpu.memory_space<vmem>>, %arg7: memref<4096xi32, #tpu.memory_space<vmem>>) attributes {dimension_semantics = [#tpu.dimension_semantics<core_parallel>, #tpu.dimension_semantics<subcore_parallel>], iteration_bounds = array<i64: 2, 16>, scalar_prefetch = 0 : i64, scratch_operands = 3 : i64, tpu.core_type = #tpu.core_type<sc_vector_subcore>, window_params = [{transform_indices = #map}, {transform_indices = #map}, {transform_indices = #map}]} {
    %mul3A = arith.constant 2 : i32
    %mul3A_0 = arith.muli %arg1, %mul3A : i32
    %add3A = arith.addi %mul3A_0, %arg0 : i32
    %mul3A_1 = arith.constant 512 : i32
    %mul3A_2 = arith.muli %add3A, %mul3A_1 : i32
    %mul3A_3 = arith.constant 64 : i32
    %mul3A_4 = arith.muli %mul3A_2, %mul3A_3 : i32
    "tpu.region"() ({
      %run_scoped3A = tpu.sem_alloc : memref<!tpu.dma_semaphore, #tpu.memory_space<semaphore_mem>>
      %dma_start3A = tpu.memref_slice %arg2[%mul3A_4] : memref<1048576xf32, #tpu.memory_space<hbm>> -> memref<32768xf32, #tpu.memory_space<hbm>>
      %dma_start3A_27 = tpu.memref_slice %arg2[%mul3A_4] : memref<1048576xf32, #tpu.memory_space<hbm>> -> memref<32768xf32, #tpu.memory_space<hbm>>
      tpu.enqueue_dma source(%dma_start3A_27 : memref<32768xf32, #tpu.memory_space<hbm>>) target(%arg5 : memref<32768xf32, #tpu.memory_space<vmem>>) target_semaphore(%run_scoped3A : memref<!tpu.dma_semaphore, #tpu.memory_space<semaphore_mem>>)
      %dma_wait3A = tpu.memref_slice %arg2[%mul3A_4] : memref<1048576xf32, #tpu.memory_space<hbm>> -> memref<32768xf32, #tpu.memory_space<hbm>>
      %dma_wait3A_28 = tpu.memref_slice %arg2[%mul3A_4] : memref<1048576xf32, #tpu.memory_space<hbm>> -> memref<32768xf32, #tpu.memory_space<hbm>>
      tpu.wait_dma2 semaphore(%run_scoped3A : memref<!tpu.dma_semaphore, #tpu.memory_space<semaphore_mem>>) src(%dma_wait3A_28 : memref<32768xf32, #tpu.memory_space<hbm>>) dst(%arg5 : memref<32768xf32, #tpu.memory_space<vmem>>)
      tpu.yield
    }) : () -> ()
    %iota3A = tpu.iota {dimensions = array<i32: 0>} : vector<16xi32>
    %broadcast_in_dim3A = arith.constant 0.000000e+00 : f32
    %broadcast_in_dim3A_5 = vector.broadcast %broadcast_in_dim3A : f32 to vector<16xf32>
    %scan3A = arith.constant 0 : i32
    %scan3A_6 = arith.constant 0 : i32
    %scan3A_7 = arith.constant 2048 : i32
    %scan3A_8 = arith.addi %scan3A_6, %scan3A_7 : i32
    %scan3A_9 = arith.constant 1 : i32
    %scan3A_10 = scf.for %scan3A_27 = %scan3A_6 to %scan3A_8 step %scan3A_9 iter_args(%scan3A_28 = %scan3A) -> (i32)  : i32 {
      %mul3A_29 = arith.constant 16 : i32
      %mul3A_30 = arith.muli %scan3A_27, %mul3A_29 : i32
      %swap3A = arith.index_cast %mul3A_30 : i32 to index
      %swap3A_31 = tpu.vector_load %arg6[%swap3A] {strides = array<i32>} : memref<32768xf32, #tpu.memory_space<vmem>>, vector<16xf32>,
      tpu.vector_store %arg6[%swap3A], %broadcast_in_dim3A_5 {strides = array<i32>} : memref<32768xf32, #tpu.memory_space<vmem>>, vector<16xf32>,
      %scan3A_32 = arith.constant 0 : i32
      scf.yield %scan3A_32 : i32
    }
    %scan3A_11 = arith.constant 2048 : i32
    %scan3A_12 = arith.constant 0 : i32
    %scan3A_13 = arith.constant 0 : i32
    %scan3A_14 = arith.constant 32 : i32
    %scan3A_15 = arith.addi %scan3A_13, %scan3A_14 : i32
    %scan3A_16 = arith.constant 1 : i32
    %scan3A_17 = scf.for %scan3A_27 = %scan3A_13 to %scan3A_15 step %scan3A_16 iter_args(%scan3A_28 = %scan3A_12) -> (i32)  : i32 {
      %mul3A_29 = arith.constant 1024 : i32
      %mul3A_30 = arith.muli %scan3A_27, %mul3A_29 : i32
      %mul3A_31 = arith.constant 64 : i32
      %mul3A_32 = vector.broadcast %mul3A_31 : i32 to vector<16xi32>
      %mul3A_33 = arith.muli %iota3A, %mul3A_32 : vector<16xi32>
      %add3A_34 = vector.broadcast %mul3A_30 : i32 to vector<16xi32>
      %add3A_35 = arith.addi %add3A_34, %mul3A_33 : vector<16xi32>
      %broadcast_in_dim3A_36 = arith.constant 0xFF800000 : f32
      %broadcast_in_dim3A_37 = vector.broadcast %broadcast_in_dim3A_36 : f32 to vector<16xf32>
      %broadcast_in_dim3A_38 = arith.constant 0xFF800000 : f32
      %broadcast_in_dim3A_39 = vector.broadcast %broadcast_in_dim3A_38 : f32 to vector<16xf32>
      %broadcast_in_dim3A_40 = arith.constant 0xFF800000 : f32
      %broadcast_in_dim3A_41 = vector.broadcast %broadcast_in_dim3A_40 : f32 to vector<16xf32>
      %broadcast_in_dim3A_42 = arith.constant 0xFF800000 : f32
      %broadcast_in_dim3A_43 = vector.broadcast %broadcast_in_dim3A_42 : f32 to vector<16xf32>
      %broadcast_in_dim3A_44 = arith.constant 0xFF800000 : f32
      %broadcast_in_dim3A_45 = vector.broadcast %broadcast_in_dim3A_44 : f32 to vector<16xf32>
      %broadcast_in_dim3A_46 = arith.constant 0xFF800000 : f32
      %broadcast_in_dim3A_47 = vector.broadcast %broadcast_in_dim3A_46 : f32 to vector<16xf32>
      %broadcast_in_dim3A_48 = arith.constant 0xFF800000 : f32
      %broadcast_in_dim3A_49 = vector.broadcast %broadcast_in_dim3A_48 : f32 to vector<16xf32>
      %broadcast_in_dim3A_50 = arith.constant 0xFF800000 : f32
      %broadcast_in_dim3A_51 = vector.broadcast %broadcast_in_dim3A_50 : f32 to vector<16xf32>
      %broadcast_in_dim3A_52 = arith.constant 0 : i32
      %broadcast_in_dim3A_53 = vector.broadcast %broadcast_in_dim3A_52 : i32 to vector<16xi32>
      %broadcast_in_dim3A_54 = arith.constant 0 : i32
      %broadcast_in_dim3A_55 = vector.broadcast %broadcast_in_dim3A_54 : i32 to vector<16xi32>
      %broadcast_in_dim3A_56 = arith.constant 0 : i32
      %broadcast_in_dim3A_57 = vector.broadcast %broadcast_in_dim3A_56 : i32 to vector<16xi32>
      %broadcast_in_dim3A_58 = arith.constant 0 : i32
      %broadcast_in_dim3A_59 = vector.broadcast %broadcast_in_dim3A_58 : i32 to vector<16xi32>
      %broadcast_in_dim3A_60 = arith.constant 0 : i32
      %broadcast_in_dim3A_61 = vector.broadcast %broadcast_in_dim3A_60 : i32 to vector<16xi32>
      %broadcast_in_dim3A_62 = arith.constant 0 : i32
      %broadcast_in_dim3A_63 = vector.broadcast %broadcast_in_dim3A_62 : i32 to vector<16xi32>
      %broadcast_in_dim3A_64 = arith.constant 0 : i32
      %broadcast_in_dim3A_65 = vector.broadcast %broadcast_in_dim3A_64 : i32 to vector<16xi32>
      %broadcast_in_dim3A_66 = arith.constant 0 : i32
      %broadcast_in_dim3A_67 = vector.broadcast %broadcast_in_dim3A_66 : i32 to vector<16xi32>
      %scan3A_68 = arith.constant 0 : i32
      %scan3A_69 = arith.constant 64 : i32
      %scan3A_70 = arith.addi %scan3A_68, %scan3A_69 : i32
      %scan3A_71 = arith.constant 1 : i32
      %scan3A_72:16 = scf.for %scan3A_145 = %scan3A_68 to %scan3A_70 step %scan3A_71 iter_args(%scan3A_146 = %broadcast_in_dim3A_37, %scan3A_147 = %broadcast_in_dim3A_39, %scan3A_148 = %broadcast_in_dim3A_41, %scan3A_149 = %broadcast_in_dim3A_43, %scan3A_150 = %broadcast_in_dim3A_45, %scan3A_151 = %broadcast_in_dim3A_47, %scan3A_152 = %broadcast_in_dim3A_49, %scan3A_153 = %broadcast_in_dim3A_51, %scan3A_154 = %broadcast_in_dim3A_53, %scan3A_155 = %broadcast_in_dim3A_55, %scan3A_156 = %broadcast_in_dim3A_57, %scan3A_157 = %broadcast_in_dim3A_59, %scan3A_158 = %broadcast_in_dim3A_61, %scan3A_159 = %broadcast_in_dim3A_63, %scan3A_160 = %broadcast_in_dim3A_65, %scan3A_161 = %broadcast_in_dim3A_67) -> (vector<16xf32>, vector<16xf32>, vector<16xf32>, vector<16xf32>, vector<16xf32>, vector<16xf32>, vector<16xf32>, vector<16xf32>, vector<16xi32>, vector<16xi32>, vector<16xi32>, vector<16xi32>, vector<16xi32>, vector<16xi32>, vector<16xi32>, vector<16xi32>)  : i32 {
        %add3A_162 = vector.broadcast %scan3A_145 : i32 to vector<16xi32>
        %add3A_163 = arith.addi %add3A_35, %add3A_162 : vector<16xi32>
        %gather3A = tpu.vector_load_idx %arg5[%add3A_163] : memref<32768xf32, #tpu.memory_space<vmem>>[vector<16xi32>], vector<16xf32>,
        %broadcast_in_dim3A_164 = arith.constant 0 : i32
        %broadcast_in_dim3A_165 = vector.broadcast %broadcast_in_dim3A_164 : i32 to vector<16xi32>
        %add3A_166 = vector.broadcast %scan3A_145 : i32 to vector<16xi32>
        %add3A_167 = arith.addi %broadcast_in_dim3A_165, %add3A_166 : vector<16xi32>
        %gt3A = arith.cmpf ogt, %gather3A, %scan3A_146 : vector<16xf32>
        %select_n3A = arith.select %gt3A, %gather3A, %scan3A_146 : vector<16xi1>, vector<16xf32>
        %select_n3A_168 = arith.select %gt3A, %add3A_167, %scan3A_154 : vector<16xi1>, vector<16xi32>
        %select_n3A_169 = arith.select %gt3A, %scan3A_146, %gather3A : vector<16xi1>, vector<16xf32>
        %select_n3A_170 = arith.select %gt3A, %scan3A_154, %add3A_167 : vector<16xi1>, vector<16xi32>
        %gt3A_171 = arith.cmpf ogt, %select_n3A_169, %scan3A_147 : vector<16xf32>
        %select_n3A_172 = arith.select %gt3A_171, %select_n3A_169, %scan3A_147 : vector<16xi1>, vector<16xf32>
        %select_n3A_173 = arith.select %gt3A_171, %select_n3A_170, %scan3A_155 : vector<16xi1>, vector<16xi32>
        %select_n3A_174 = arith.select %gt3A_171, %scan3A_147, %select_n3A_169 : vector<16xi1>, vector<16xf32>
        %select_n3A_175 = arith.select %gt3A_171, %scan3A_155, %select_n3A_170 : vector<16xi1>, vector<16xi32>
        %gt3A_176 = arith.cmpf ogt, %select_n3A_174, %scan3A_148 : vector<16xf32>
        %select_n3A_177 = arith.select %gt3A_176, %select_n3A_174, %scan3A_148 : vector<16xi1>, vector<16xf32>
        %select_n3A_178 = arith.select %gt3A_176, %select_n3A_175, %scan3A_156 : vector<16xi1>, vector<16xi32>
        %select_n3A_179 = arith.select %gt3A_176, %scan3A_148, %select_n3A_174 : vector<16xi1>, vector<16xf32>
        %select_n3A_180 = arith.select %gt3A_176, %scan3A_156, %select_n3A_175 : vector<16xi1>, vector<16xi32>
        %gt3A_181 = arith.cmpf ogt, %select_n3A_179, %scan3A_149 : vector<16xf32>
        %select_n3A_182 = arith.select %gt3A_181, %select_n3A_179, %scan3A_149 : vector<16xi1>, vector<16xf32>
        %select_n3A_183 = arith.select %gt3A_181, %select_n3A_180, %scan3A_157 : vector<16xi1>, vector<16xi32>
        %select_n3A_184 = arith.select %gt3A_181, %scan3A_149, %select_n3A_179 : vector<16xi1>, vector<16xf32>
        %select_n3A_185 = arith.select %gt3A_181, %scan3A_157, %select_n3A_180 : vector<16xi1>, vector<16xi32>
        %gt3A_186 = arith.cmpf ogt, %select_n3A_184, %scan3A_150 : vector<16xf32>
        %select_n3A_187 = arith.select %gt3A_186, %select_n3A_184, %scan3A_150 : vector<16xi1>, vector<16xf32>
        %select_n3A_188 = arith.select %gt3A_186, %select_n3A_185, %scan3A_158 : vector<16xi1>, vector<16xi32>
        %select_n3A_189 = arith.select %gt3A_186, %scan3A_150, %select_n3A_184 : vector<16xi1>, vector<16xf32>
        %select_n3A_190 = arith.select %gt3A_186, %scan3A_158, %select_n3A_185 : vector<16xi1>, vector<16xi32>
        %gt3A_191 = arith.cmpf ogt, %select_n3A_189, %scan3A_151 : vector<16xf32>
        %select_n3A_192 = arith.select %gt3A_191, %select_n3A_189, %scan3A_151 : vector<16xi1>, vector<16xf32>
        %select_n3A_193 = arith.select %gt3A_191, %select_n3A_190, %scan3A_159 : vector<16xi1>, vector<16xi32>
        %select_n3A_194 = arith.select %gt3A_191, %scan3A_151, %select_n3A_189 : vector<16xi1>, vector<16xf32>
        %select_n3A_195 = arith.select %gt3A_191, %scan3A_159, %select_n3A_190 : vector<16xi1>, vector<16xi32>
        %gt3A_196 = arith.cmpf ogt, %select_n3A_194, %scan3A_152 : vector<16xf32>
        %select_n3A_197 = arith.select %gt3A_196, %select_n3A_194, %scan3A_152 : vector<16xi1>, vector<16xf32>
        %select_n3A_198 = arith.select %gt3A_196, %select_n3A_195, %scan3A_160 : vector<16xi1>, vector<16xi32>
        %select_n3A_199 = arith.select %gt3A_196, %scan3A_152, %select_n3A_194 : vector<16xi1>, vector<16xf32>
        %select_n3A_200 = arith.select %gt3A_196, %scan3A_160, %select_n3A_195 : vector<16xi1>, vector<16xi32>
        %gt3A_201 = arith.cmpf ogt, %select_n3A_199, %scan3A_153 : vector<16xf32>
        %select_n3A_202 = arith.select %gt3A_201, %select_n3A_199, %scan3A_153 : vector<16xi1>, vector<16xf32>
        %select_n3A_203 = arith.select %gt3A_201, %select_n3A_200, %scan3A_161 : vector<16xi1>, vector<16xi32>
        %select_n3A_204 = arith.select %gt3A_201, %scan3A_153, %select_n3A_199 : vector<16xi1>, vector<16xf32>
        %select_n3A_205 = arith.select %gt3A_201, %scan3A_161, %select_n3A_200 : vector<16xi1>, vector<16xi32>
        scf.yield %select_n3A, %select_n3A_172, %select_n3A_177, %select_n3A_182, %select_n3A_187, %select_n3A_192, %select_n3A_197, %select_n3A_202, %select_n3A_168, %select_n3A_173, %select_n3A_178, %select_n3A_183, %select_n3A_188, %select_n3A_193, %select_n3A_198, %select_n3A_203 : vector<16xf32>, vector<16xf32>, vector<16xf32>, vector<16xf32>, vector<16xf32>, vector<16xf32>, vector<16xf32>, vector<16xf32>, vector<16xi32>, vector<16xi32>, vector<16xi32>, vector<16xi32>, vector<16xi32>, vector<16xi32>, vector<16xi32>, vector<16xi32>
      }
      %scan3A_73 = arith.constant 64 : i32
      %sub3A = arith.subf %scan3A_72#0, %scan3A_72#0 : vector<16xf32>
      %exp3A = math.exp %sub3A : vector<16xf32>
      %sub3A_74 = arith.subf %scan3A_72#1, %scan3A_72#0 : vector<16xf32>
      %exp3A_75 = math.exp %sub3A_74 : vector<16xf32>
      %sub3A_76 = arith.subf %scan3A_72#2, %scan3A_72#0 : vector<16xf32>
      %exp3A_77 = math.exp %sub3A_76 : vector<16xf32>
      %sub3A_78 = arith.subf %scan3A_72#3, %scan3A_72#0 : vector<16xf32>
      %exp3A_79 = math.exp %sub3A_78 : vector<16xf32>
      %sub3A_80 = arith.subf %scan3A_72#4, %scan3A_72#0 : vector<16xf32>
      %exp3A_81 = math.exp %sub3A_80 : vector<16xf32>
      %sub3A_82 = arith.subf %scan3A_72#5, %scan3A_72#0 : vector<16xf32>
      %exp3A_83 = math.exp %sub3A_82 : vector<16xf32>
      %sub3A_84 = arith.subf %scan3A_72#6, %scan3A_72#0 : vector<16xf32>
      %exp3A_85 = math.exp %sub3A_84 : vector<16xf32>
      %sub3A_86 = arith.subf %scan3A_72#7, %scan3A_72#0 : vector<16xf32>
      %exp3A_87 = math.exp %sub3A_86 : vector<16xf32>
      %add3A_88 = arith.addf %exp3A, %exp3A_75 : vector<16xf32>
      %add3A_89 = arith.addf %add3A_88, %exp3A_77 : vector<16xf32>
      %add3A_90 = arith.addf %add3A_89, %exp3A_79 : vector<16xf32>
      %add3A_91 = arith.addf %add3A_90, %exp3A_81 : vector<16xf32>
      %add3A_92 = arith.addf %add3A_91, %exp3A_83 : vector<16xf32>
      %add3A_93 = arith.addf %add3A_92, %exp3A_85 : vector<16xf32>
      %add3A_94 = arith.addf %add3A_93, %exp3A_87 : vector<16xf32>
      %div3A = arith.constant 1.000000e+00 : f32
      %div3A_95 = vector.broadcast %div3A : f32 to vector<16xf32>
      %div3A_96 = arith.divf %div3A_95, %add3A_94 : vector<16xf32>
      %mul3A_97 = arith.constant 128 : i32
      %mul3A_98 = arith.muli %scan3A_27, %mul3A_97 : i32
      %mul3A_99 = arith.constant 8 : i32
      %mul3A_100 = vector.broadcast %mul3A_99 : i32 to vector<16xi32>
      %mul3A_101 = arith.muli %iota3A, %mul3A_100 : vector<16xi32>
      %add3A_102 = vector.broadcast %mul3A_98 : i32 to vector<16xi32>
      %add3A_103 = arith.addi %add3A_102, %mul3A_101 : vector<16xi32>
      %add3A_104 = arith.addi %add3A_35, %scan3A_72#8 : vector<16xi32>
      %mul3A_105 = arith.mulf %exp3A, %div3A_96 : vector<16xf32>
      tpu.vector_store_idx %arg6[%add3A_104], %mul3A_105 : memref<32768xf32, #tpu.memory_space<vmem>>[vector<16xi32>], vector<16xf32>,
      %add3A_106 = arith.constant 0 : i32
      %add3A_107 = vector.broadcast %add3A_106 : i32 to vector<16xi32>
      %add3A_108 = arith.addi %add3A_103, %add3A_107 : vector<16xi32>
      tpu.vector_store_idx %arg7[%add3A_108], %scan3A_72#8 : memref<4096xi32, #tpu.memory_space<vmem>>[vector<16xi32>], vector<16xi32>,
      %add3A_109 = arith.addi %add3A_35, %scan3A_72#9 : vector<16xi32>
      %mul3A_110 = arith.mulf %exp3A_75, %div3A_96 : vector<16xf32>
      tpu.vector_store_idx %arg6[%add3A_109], %mul3A_110 : memref<32768xf32, #tpu.memory_space<vmem>>[vector<16xi32>], vector<16xf32>,
      %add3A_111 = arith.constant 1 : i32
      %add3A_112 = vector.broadcast %add3A_111 : i32 to vector<16xi32>
      %add3A_113 = arith.addi %add3A_103, %add3A_112 : vector<16xi32>
      tpu.vector_store_idx %arg7[%add3A_113], %scan3A_72#9 : memref<4096xi32, #tpu.memory_space<vmem>>[vector<16xi32>], vector<16xi32>,
      %add3A_114 = arith.addi %add3A_35, %scan3A_72#10 : vector<16xi32>
      %mul3A_115 = arith.mulf %exp3A_77, %div3A_96 : vector<16xf32>
      tpu.vector_store_idx %arg6[%add3A_114], %mul3A_115 : memref<32768xf32, #tpu.memory_space<vmem>>[vector<16xi32>], vector<16xf32>,
      %add3A_116 = arith.constant 2 : i32
      %add3A_117 = vector.broadcast %add3A_116 : i32 to vector<16xi32>
      %add3A_118 = arith.addi %add3A_103, %add3A_117 : vector<16xi32>
      tpu.vector_store_idx %arg7[%add3A_118], %scan3A_72#10 : memref<4096xi32, #tpu.memory_space<vmem>>[vector<16xi32>], vector<16xi32>,
      %add3A_119 = arith.addi %add3A_35, %scan3A_72#11 : vector<16xi32>
      %mul3A_120 = arith.mulf %exp3A_79, %div3A_96 : vector<16xf32>
      tpu.vector_store_idx %arg6[%add3A_119], %mul3A_120 : memref<32768xf32, #tpu.memory_space<vmem>>[vector<16xi32>], vector<16xf32>,
      %add3A_121 = arith.constant 3 : i32
      %add3A_122 = vector.broadcast %add3A_121 : i32 to vector<16xi32>
      %add3A_123 = arith.addi %add3A_103, %add3A_122 : vector<16xi32>
      tpu.vector_store_idx %arg7[%add3A_123], %scan3A_72#11 : memref<4096xi32, #tpu.memory_space<vmem>>[vector<16xi32>], vector<16xi32>,
      %add3A_124 = arith.addi %add3A_35, %scan3A_72#12 : vector<16xi32>
      %mul3A_125 = arith.mulf %exp3A_81, %div3A_96 : vector<16xf32>
      tpu.vector_store_idx %arg6[%add3A_124], %mul3A_125 : memref<32768xf32, #tpu.memory_space<vmem>>[vector<16xi32>], vector<16xf32>,
      %add3A_126 = arith.constant 4 : i32
      %add3A_127 = vector.broadcast %add3A_126 : i32 to vector<16xi32>
      %add3A_128 = arith.addi %add3A_103, %add3A_127 : vector<16xi32>
      tpu.vector_store_idx %arg7[%add3A_128], %scan3A_72#12 : memref<4096xi32, #tpu.memory_space<vmem>>[vector<16xi32>], vector<16xi32>,
      %add3A_129 = arith.addi %add3A_35, %scan3A_72#13 : vector<16xi32>
      %mul3A_130 = arith.mulf %exp3A_83, %div3A_96 : vector<16xf32>
      tpu.vector_store_idx %arg6[%add3A_129], %mul3A_130 : memref<32768xf32, #tpu.memory_space<vmem>>[vector<16xi32>], vector<16xf32>,
      %add3A_131 = arith.constant 5 : i32
      %add3A_132 = vector.broadcast %add3A_131 : i32 to vector<16xi32>
      %add3A_133 = arith.addi %add3A_103, %add3A_132 : vector<16xi32>
      tpu.vector_store_idx %arg7[%add3A_133], %scan3A_72#13 : memref<4096xi32, #tpu.memory_space<vmem>>[vector<16xi32>], vector<16xi32>,
      %add3A_134 = arith.addi %add3A_35, %scan3A_72#14 : vector<16xi32>
      %mul3A_135 = arith.mulf %exp3A_85, %div3A_96 : vector<16xf32>
      tpu.vector_store_idx %arg6[%add3A_134], %mul3A_135 : memref<32768xf32, #tpu.memory_space<vmem>>[vector<16xi32>], vector<16xf32>,
      %add3A_136 = arith.constant 6 : i32
      %add3A_137 = vector.broadcast %add3A_136 : i32 to vector<16xi32>
      %add3A_138 = arith.addi %add3A_103, %add3A_137 : vector<16xi32>
      tpu.vector_store_idx %arg7[%add3A_138], %scan3A_72#14 : memref<4096xi32, #tpu.memory_space<vmem>>[vector<16xi32>], vector<16xi32>,
      %add3A_139 = arith.addi %add3A_35, %scan3A_72#15 : vector<16xi32>
      %mul3A_140 = arith.mulf %exp3A_87, %div3A_96 : vector<16xf32>
      tpu.vector_store_idx %arg6[%add3A_139], %mul3A_140 : memref<32768xf32, #tpu.memory_space<vmem>>[vector<16xi32>], vector<16xf32>,
      %add3A_141 = arith.constant 7 : i32
      %add3A_142 = vector.broadcast %add3A_141 : i32 to vector<16xi32>
      %add3A_143 = arith.addi %add3A_103, %add3A_142 : vector<16xi32>
      tpu.vector_store_idx %arg7[%add3A_143], %scan3A_72#15 : memref<4096xi32, #tpu.memory_space<vmem>>[vector<16xi32>], vector<16xi32>,
      %scan3A_144 = arith.constant 0 : i32
      scf.yield %scan3A_144 : i32
    }
    %scan3A_18 = arith.constant 32 : i32
    %mul3A_19 = arith.constant 512 : i32
    %mul3A_20 = arith.muli %add3A, %mul3A_19 : i32
    %mul3A_21 = arith.constant 64 : i32
    %mul3A_22 = arith.muli %mul3A_20, %mul3A_21 : i32
    "tpu.region"() ({
      %run_scoped3A = tpu.sem_alloc : memref<!tpu.dma_semaphore, #tpu.memory_space<semaphore_mem>>
      %dma_start3A = tpu.memref_slice %arg3[%mul3A_22] : memref<1048576xf32, #tpu.memory_space<hbm>> -> memref<32768xf32, #tpu.memory_space<hbm>>
      %dma_start3A_27 = tpu.memref_slice %arg3[%mul3A_22] : memref<1048576xf32, #tpu.memory_space<hbm>> -> memref<32768xf32, #tpu.memory_space<hbm>>
      tpu.enqueue_dma source(%arg6 : memref<32768xf32, #tpu.memory_space<vmem>>) target(%dma_start3A_27 : memref<32768xf32, #tpu.memory_space<hbm>>) target_semaphore(%run_scoped3A : memref<!tpu.dma_semaphore, #tpu.memory_space<semaphore_mem>>)
      %dma_wait3A = tpu.memref_slice %arg3[%mul3A_22] : memref<1048576xf32, #tpu.memory_space<hbm>> -> memref<32768xf32, #tpu.memory_space<hbm>>
      %dma_wait3A_28 = tpu.memref_slice %arg3[%mul3A_22] : memref<1048576xf32, #tpu.memory_space<hbm>> -> memref<32768xf32, #tpu.memory_space<hbm>>
      tpu.wait_dma2 semaphore(%run_scoped3A : memref<!tpu.dma_semaphore, #tpu.memory_space<semaphore_mem>>) src(%arg6 : memref<32768xf32, #tpu.memory_space<vmem>>) dst(%dma_wait3A_28 : memref<32768xf32, #tpu.memory_space<hbm>>)
      tpu.yield
    }) : () -> ()
    %mul3A_23 = arith.constant 512 : i32
    %mul3A_24 = arith.muli %add3A, %mul3A_23 : i32
    %mul3A_25 = arith.constant 8 : i32
    %mul3A_26 = arith.muli %mul3A_24, %mul3A_25 : i32
    "tpu.region"() ({
      %run_scoped3A = tpu.sem_alloc : memref<!tpu.dma_semaphore, #tpu.memory_space<semaphore_mem>>
      %dma_start3A = tpu.memref_slice %arg4[%mul3A_26] : memref<131072xi32, #tpu.memory_space<hbm>> -> memref<4096xi32, #tpu.memory_space<hbm>>
      %dma_start3A_27 = tpu.memref_slice %arg4[%mul3A_26] : memref<131072xi32, #tpu.memory_space<hbm>> -> memref<4096xi32, #tpu.memory_space<hbm>>
      tpu.enqueue_dma source(%arg7 : memref<4096xi32, #tpu.memory_space<vmem>>) target(%dma_start3A_27 : memref<4096xi32, #tpu.memory_space<hbm>>) target_semaphore(%run_scoped3A : memref<!tpu.dma_semaphore, #tpu.memory_space<semaphore_mem>>)
      %dma_wait3A = tpu.memref_slice %arg4[%mul3A_26] : memref<131072xi32, #tpu.memory_space<hbm>> -> memref<4096xi32, #tpu.memory_space<hbm>>
      %dma_wait3A_28 = tpu.memref_slice %arg4[%mul3A_26] : memref<131072xi32, #tpu.memory_space<hbm>> -> memref<4096xi32, #tpu.memory_space<hbm>>
      tpu.wait_dma2 semaphore(%run_scoped3A : memref<!tpu.dma_semaphore, #tpu.memory_space<semaphore_mem>>) src(%arg7 : memref<4096xi32, #tpu.memory_space<vmem>>) dst(%dma_wait3A_28 : memref<4096xi32, #tpu.memory_space<hbm>>)
      tpu.yield
    }) : () -> ()
    return
  }
}

module attributes {stable_mosaic.version = 14 : i64} {
  func.func @_matmul_kernel(%arg0: i32, %arg1: memref<1024x4096xf32, #tpu.memory_space<vmem>>, %arg2: memref<4096x64xf32, #tpu.memory_space<vmem>>, %arg3: memref<1x64xf32, #tpu.memory_space<vmem>>, %arg4: memref<1024x64xf32, #tpu.memory_space<vmem>>) attributes {dimension_semantics = [#tpu.dimension_semantics<arbitrary>], iteration_bounds = array<i64: 16>, scalar_prefetch = 0 : i64, scratch_operands = 0 : i64, tpu.core_type = #tpu.core_type<tc>, window_params = [{transform_indices = @transform_0, window_bounds = array<i64: 1024, 4096>}, {pipeline_mode = #tpu.pipeline_mode<synchronous>, transform_indices = @transform_1, window_bounds = array<i64: 4096, 64>}, {pipeline_mode = #tpu.pipeline_mode<synchronous>, transform_indices = @transform_2, window_bounds = array<i64: 1, 64>}, {transform_indices = @transform_3, window_bounds = array<i64: 1024, 64>}]} {
    %get3A = arith.constant 0 : index
    %get3A_0 = arith.constant 0 : index
    %get3A_1 = vector.load %arg1[%get3A, %get3A_0] : memref<1024x4096xf32, #tpu.memory_space<vmem>>, vector<1024x4096xf32>
    %get3A_2 = arith.constant 0 : index
    %get3A_3 = arith.constant 0 : index
    %get3A_4 = vector.load %arg2[%get3A_2, %get3A_3] : memref<4096x64xf32, #tpu.memory_space<vmem>>, vector<4096x64xf32>
    %dot_general3A = arith.constant dense<0.000000e+00> : vector<1024x64xf32>
    %dot_general3A_5 = tpu.matmul %get3A_1, %get3A_4, %dot_general3A {dimension_numbers = #tpu.dot_dimension_numbers<[1], [0], [0], [1], [0, 0, 1, 1], [], []>, transpose_lhs_hint = false} : vector<1024x4096xf32>, vector<4096x64xf32>, vector<1024x64xf32> -> vector<1024x64xf32>
    %get3A_6 = arith.constant 0 : index
    %get3A_7 = arith.constant 0 : index
    %get3A_8 = vector.load %arg3[%get3A_6, %get3A_7] : memref<1x64xf32, #tpu.memory_space<vmem>>, vector<1x64xf32>
    %add3A = vector.broadcast %get3A_8 : vector<1x64xf32> to vector<1024x64xf32>
    %add3A_9 = arith.addf %dot_general3A_5, %add3A : vector<1024x64xf32>
    %swap3A = arith.constant 0 : index
    %swap3A_10 = arith.constant 0 : index
    %swap3A_11 = vector.load %arg4[%swap3A, %swap3A_10] : memref<1024x64xf32, #tpu.memory_space<vmem>>, vector<1024x64xf32>
    tpu.vector_store %arg4[%swap3A, %swap3A_10], %add3A_9 {strides = array<i32>} : memref<1024x64xf32, #tpu.memory_space<vmem>>, vector<1024x64xf32>,
    return
  }
  func.func @transform_0(%arg0: i32) -> (i32, i32) {
    %c0_i32 = arith.constant 0 : i32
    %c0_i32_0 = arith.constant 0 : i32
    return %arg0, %c0_i32 : i32, i32
  }
  func.func @transform_1(%arg0: i32) -> (i32, i32) {
    %c0_i32 = arith.constant 0 : i32
    %c0_i32_0 = arith.constant 0 : i32
    %c0_i32_1 = arith.constant 0 : i32
    return %c0_i32, %c0_i32_0 : i32, i32
  }
  func.func @transform_2(%arg0: i32) -> (i32, i32) {
    %c0_i32 = arith.constant 0 : i32
    %c0_i32_0 = arith.constant 0 : i32
    %c0_i32_1 = arith.constant 0 : i32
    return %c0_i32, %c0_i32_0 : i32, i32
  }
  func.func @transform_3(%arg0: i32) -> (i32, i32) {
    %c0_i32 = arith.constant 0 : i32
    %c0_i32_0 = arith.constant 0 : i32
    return %arg0, %c0_i32 : i32, i32
  }
}

</mosaic_0001>

<sc_bundles>
// kernel: kernel.4.cloned.1.call-start
scs
__scs_entry_jumppad:
0x0: {  	(pc) =	sbr.rel $0x88, $3  }
0x1: {  	(tag) =	ssettag $0x0;
	lr =	simm.s32 $0x1  }
0x2: {  	[smem:$0x3F9E] =	sst lr;
	_ =	strace $0xD0000000  }
0x3: {  	_ = 	snop  }
0x4: {  	_ = 	snop  }
0x5: {  	_ = 	snop  }
0x6: {  	_ = 	snop  }
0x7: {  	_ = 	snop  }
__scs_overlays_trampoline_lowered:
0x8: {  	[smem:$0x3FAD] =	sst s0  }
0x9: {  	[smem:$0x3FAE] =	sst s1  }
0xa: {  	[smem:$0x3FAF] =	sst s2  }
0xb: {  	[smem:$0x3FB0] =	sst s3  }
0xc: {  	[smem:$0x3FB1] =	sst s4  }
0xd: {  	[smem:$0x3FB2] =	sst s5  }
0xe: {  	[smem:$0x3FB3] =	sst s6  }
0xf: {  	[smem:$0x3FB4] =	sst s7  }
0x10: {  	[smem:$0x3FB5] =	sst s8  }
0x11: {  	[smem:$0x3FB6] =	sst s9;
	s0 =	simm.s32 @!p0 $0x0  }
0x12: {  	s1 =	sld [smem:$0x3F9C];
	s0 =	simm.s32 @p0 $0x1  }
0x13: {  	[smem:$0x3FB7] =	sst s0;
	s0 =	simm.s32 @!p1 $0x0  }
0x14: {  	s2 =	sld [smem:$0x3F9B];
	s0 =	simm.s32 @p1 $0x1  }
0x15: {  	[smem:$0x3FB8] =	sst s0;
	s0 =	simm.s32 @!p2 $0x0  }
0x16: {  	s3 =	sld [smem:$0x3FDB];
	s0 =	simm.s32 @p2 $0x1  }
0x17: {  	s4 =	simm.s32 $0x1BF5;
	[smem:$0x3FBA] =	sst s0  }
0x18: {  	s0 =	sld [smem:$0x3F9D];
	_ =	swait.ge [sflag:s4], $0x0  }
0x19: {  	s7 =	sld [smem:$0x3F9E]  }
0x1a: {  	s8 =	sadd.s32 $0xFFFFE003, lr  }
0x1b: {  	s9 =	sadd.s32 $0xFFFFFEF7, lr;
	s5 =	simm.s32 $0xFFFFFFFF;
	p2 =	slt.u32 s8, $0xFFFFF086  }
0x1c: {  	p1 =	slt.u32 s9, $0xF7A;
	s5 =	simm.s32 @!p2 $0x0  }
0x1d: {  	s5 =	simm.s32 @p1 $0x1;
	p0 =	seq.s32 s7, s2  }
0x1e: {  	s7 =	smul.u32 @!p0 $0xF7A, s2;
	p2 =	seq.s32 @!p0 s5, $0x0  }
0x1f: {  	s9 =	smul.u32 $0xF7A, s1;
	s8 =	simm.s32 @!p0 $0x1BF5;
	p2 =	por !p2, p0  }
0x20: {  	[sflag:s8] =	ssyncset.s32 @!p0 $0xFFFFF086;
	s6 =	sadd.s32 @!p0 s3, s7;
	s7 =	simm.s32 @!p0 $0x108  }
0x21: {  	s3 =	sadd.s32 s3, s9;
	s6 =	sadd.s32 @!p0 $0x88, s6;
	s7 =	simm.s32 @p2 $0x1082  }
0x22: {  	[simem:s7], [sflag:s8] =	dma.local @!p0 [hbm:s6], $0xF7A  }
0x23: {  	s9 =	sor.u32 $0xD0000000, s2;
	s6 =	simm.s32 $0x108;
	_ =	swait.ge @!p0 [sflag:s8], $0x0  }
0x24: {  	s3 =	sadd.s32 $0x88, s3;
	s6 =	simm.s32 @!p1 $0x1082;
	[sflag:s4] =	ssyncset.s32 $0xFFFFF086  }
0x25: {  	[simem:s6], [sflag:s4] =	dma.local [hbm:s3], $0xF7A  }
0x26: {  	[smem:$0x3F9E] =	sst s1;
	(tag) =	ssettag s2;
	_ =	strace s9  }
0x27: {  	s1 =	sld [smem:$0x3FAE]  }
0x28: {  	s2 =	sld [smem:$0x3FAF]  }
0x29: {  	s4 =	sld [smem:$0x3FB1]  }
0x2a: {  	p0 =	seq.s32 s5, $0x0;
	s5 =	sld [smem:$0x3FB2]  }
0x2b: {  	s6 =	sld [smem:$0x3FB3]  }
0x2c: {  	s7 =	sld [smem:$0x3FB4]  }
0x2d: {  	s3 =	simm.s32 $0x108;
	s8 =	sld [smem:$0x3FB5]  }
0x2e: {  	s3 =	simm.s32 @!p0 $0x1082;
	s9 =	sld [smem:$0x3FB6]  }
0x2f: {  	lr =	sadd.s32 s0, s3;
	s0 =	sld [smem:$0x3FAD]  }
0x30: {  	s3 =	sld [smem:$0x3FB0]  }
0x31: {  	[smem:$0x3FB9] =	sst s10  }
0x32: {  	s10 =	sld [smem:$0x3FB7];
	_ =	sdelay $0x3  }
0x33: {  	p0 =	seq.s32 s10, $0x1;
	s10 =	sld [smem:$0x3FB9];
	_ =	sdelay $0x3  }
0x34: {  	[smem:$0x3FB9] =	sst s10  }
0x35: {  	s10 =	sld [smem:$0x3FB8];
	_ =	sdelay $0x3  }
0x36: {  	p1 =	seq.s32 s10, $0x1;
	s10 =	sld [smem:$0x3FB9];
	_ =	sdelay $0x3  }
0x37: {  	[smem:$0x3FB9] =	sst s10  }
0x38: {  	s10 =	sld [smem:$0x3FBA]  }
0x39: {  	_ = 	snop;
	(pc) =	sbr.ind lr, $3  }
0x3a: {  	_ = 	snop  }
0x3b: {  	_ = 	snop  }
0x3c: {  	p2 =	seq.s32 s10, $0x1;
	s10 =	sld [smem:$0x3FB9]  }
0x3d: {  	_ =	shalt  }
0x3e: {  	_ =	shalt  }
0x3f: {  	_ =	shalt  }
0x40: {  	_ =	shalt  }
0x41: {  	_ =	shalt  }
0x42: {  	_ =	shalt  }
0x43: {  	_ =	shalt  }
0x44: {  	_ =	shalt  }
0x45: {  	_ =	shalt  }
0x46: {  	_ =	shalt  }
0x47: {  	_ =	shalt  }
0x48: {  	_ =	shalt  }
0x49: {  	_ =	shalt  }
0x4a: {  	_ =	shalt  }
0x4b: {  	_ =	shalt  }
0x4c: {  	_ =	shalt  }
0x4d: {  	_ =	shalt  }
0x4e: {  	_ =	shalt  }
0x4f: {  	_ =	shalt  }
0x50: {  	_ =	shalt  }
0x51: {  	_ =	shalt  }
0x52: {  	_ =	shalt  }
0x53: {  	_ =	shalt  }
0x54: {  	_ =	shalt  }
0x55: {  	_ =	shalt  }
0x56: {  	_ =	shalt  }
0x57: {  	_ =	shalt  }
0x58: {  	_ =	shalt  }
0x59: {  	_ =	shalt  }
0x5a: {  	_ =	shalt  }
0x5b: {  	_ =	shalt  }
0x5c: {  	_ =	shalt  }
0x5d: {  	_ =	shalt  }
0x5e: {  	_ =	shalt  }
0x5f: {  	_ =	shalt  }
0x60: {  	_ =	shalt  }
0x61: {  	_ =	shalt  }
0x62: {  	_ =	shalt  }
0x63: {  	_ =	shalt  }
0x64: {  	_ =	shalt  }
0x65: {  	_ =	shalt  }
0x66: {  	_ =	shalt  }
0x67: {  	_ =	shalt  }
0x68: {  	_ =	shalt  }
0x69: {  	_ =	shalt  }
0x6a: {  	_ =	shalt  }
0x6b: {  	_ =	shalt  }
0x6c: {  	_ =	shalt  }
0x6d: {  	_ =	shalt  }
0x6e: {  	_ =	shalt  }
0x6f: {  	_ =	shalt  }
0x70: {  	_ =	shalt  }
0x71: {  	_ =	shalt  }
0x72: {  	_ =	shalt  }
0x73: {  	_ =	shalt  }
0x74: {  	_ =	shalt  }
0x75: {  	_ =	shalt  }
0x76: {  	_ =	shalt  }
0x77: {  	_ =	shalt  }
0x78: {  	_ =	shalt  }
0x79: {  	_ =	shalt  }
0x7a: {  	_ =	shalt  }
0x7b: {  	_ =	shalt  }
0x7c: {  	_ =	shalt  }
0x7d: {  	_ =	shalt  }
0x7e: {  	_ =	shalt  }
0x7f: {  	_ =	shalt  }
0x80: {  	_ =	shalt  }
0x81: {  	_ =	shalt  }
0x82: {  	_ =	shalt  }
0x83: {  	_ =	shalt  }
0x84: {  	_ =	shalt  }
0x85: {  	_ =	shalt  }
0x86: {  	_ =	shalt  }
0x87: {  	_ =	shalt  }
.Lfunc_end0:
.L_simem_size_0:
called_computation_lowered:
.L_overlay_start_0:
0x88: {  	s2 =	sld [smem:$0x3FD9]  }
0x89: {  	s3 =	sld [smem:$0x3FFE];
	_ =	sdelay $0x1  }
0x8a: {  	s1 =	srdreg.scid  }
0x8b: {  	s0 =	sand.u32 $0x1, s1  }
0x8c: {  	s14 =	sshll.u32 s0, $0xA;
	s2 =	sadd.s32 s3, s2  }
0x8d: {  	s2 =	sadd.s32 s2, s14  }
0x8e: {  	[smem:$0x3FC5] =	sst s2  }
0x8f: {  	_ = 	snop  }
0x90: {  	s2 =	sld [smem:$0x3FD0];
	_ =	sdelay $0x2  }
0x91: {  	s15 =	simm.s32 $0xA;
	s4 =	simm.s32 $0x10  }
0x92: {  	[smem:s4], [sflag:s15] =	dma.local [hbm:s2], $0x1  }
0x93: {  	_ =	swait.eq [sflag:s15], $0x1  }
0x94: {  	[sflag:s15] =	ssyncset.done $0x0  }
0x95: {  	s16 =	sld [smem:$0x10];
	[sflag:s15] =	ssyncadd.s32 $0xFFFFFFFF  }
0x96: {  	s17 =	sld [smem:$0x11];
	(tm) =	ssettm $0x1  }
0x97: {  	s18 =	sld [smem:$0x3FFB];
	_ =	sdelay $0x3  }
0x98: {  	_ =	strace s18  }
0x99: {  	s4 =	sld [smem:$0x3FFC];
	_ =	sdelay $0x3  }
0x9a: {  	_ =	strace s4  }
0x9b: {  	s4 =	sld [smem:$0x3FFD];
	_ =	sdelay $0x3  }
0x9c: {  	_ =	strace s4  }
0x9d: {  	_ =	strace $0x8FFFFFFF  }
0x9e: {  	s19 =	sld [smem:$0x3FDB];
	_ =	sdelay $0x1  }
0x9f: {  	s5 =	simm.s32 $_scs_section_size  }
0xa0: {  	s6 =	simm.s32 $_size__tile_overlayer_lowered;
	s7 =	simm.s32 $_tile_overlayer_lowered  }
0xa1: {  	s22 =	simm.s32 $0x1BFF;
	s21 =	sshll.u32 s7, $0x1;
	s4 =	sadd.s32 s5, s19  }
0xa2: {  	s8 =	simm.s32 $0x0;
	s20 =	sshll.u32 s6, $0x1;
	s6 =	sadd.s32 s21, s4  }
0xa3: {  	[timem:s8], [sflag:s22] =	dma.local [hbm:s6], s20  }
0xa4: {  	_ =	swait.ge [sflag:s22], s20  }
0xa5: {  	s5 =	ssub.s32 $0x0, s20;
	[sflag:s22] =	ssyncset.done $0x0  }
0xa6: {  	[sflag:s22] =	ssyncadd.s32 s5;
	_ =	sdelay $0x1  }
0xa7: {  	s23 =	simm.s32 $0x1B8B  }
0xa8: {  	_ =	swait.ge [sflag:s23], $0x1  }
0xa9: {  	[sflag:s23] =	ssyncset.done $0x0  }
0xaa: {  	s25 =	simm.s32 $0x1B8E;
	s24 =	sld [smem:$0x3FFE];
	[sflag:s23] =	ssyncadd.s32 $0xFFFFFFFF  }
0xab: {  	s26 =	simm.s32 $execute0_lowered;
	[smem:$0x3FD2] =	sst s25  }
0xac: {  	s6 =	sshll.u32 s26, $0x1;
	_ =	strace $0x80000046;
	[dreg:$0x1] =	wrdreg $0xFFFFFFFF  }
0xad: {  	s28 =	simm.s32 $_size_execute0_lowered;
	s4 =	sadd.s32 s4, s6;
	[dreg:$0x0] =	wrdreg $0x0  }
0xae: {  	s6 =	sshll.u32 s28, $0x1;
	[dreg:$0x2] =	wrdreg s4  }
0xaf: {  	[dreg:$0x3] =	wrdreg s6  }
0xb0: {  	[dreg:$0x4] =	wrdreg $0xC0  }
0xb1: {  	_ =	task [dreg:s8], $0x5FFFF  }
0xb2: {  	[dreg:$0x1] =	wrdreg $0xFFFFFFFF  }
0xb3: {  	[dreg:$0x0] =	wrdreg $0x60  }
0xb4: {  	[dreg:$0x2] =	wrdreg s16  }
0xb5: {  	[dreg:$0x3] =	wrdreg s24  }
0xb6: {  	[dreg:$0x4] =	wrdreg s17  }
0xb7: {  	[dreg:$0x5] =	wrdreg $0x9  }
0xb8: {  	_ =	task.clear_ibuf [dreg:s8], $0x6FFFF;
	_ =	strace $0x90000046  }
0xb9: {  	s29 =	simm.s32 $0x9;
	_ =	strace $0x80000048  }
0xba: {  	_ =	swait.ge [sflag:s29], $0x1  }
0xbb: {  	[sflag:s29] =	ssyncadd.s32 $0xFFFFFFFF  }
0xbc: {  	_ =	strace $0x90000048  }
0xbd: {  	_ =	sfence  }
0xbe: {  	s30 =	sld [smem:$0x0];
	_ =	sdelay $0x2  }
0xbf: {  	s31 =	sshll.u32 s1, $0xD;
	s1 =	sshrl.u32 s1, $0x2  }
0xc0: {  	s3 =	sand.u32 $0x4000, s31;
	s1 =	sadd.s32 s1, s30  }
0xc1: {  	s0 =	sor.u32 s3, s0;
	s1 =	sshll.u32 s1, $0x11  }
0xc2: {  	s0 =	sor.u32 s1, s0  }
0xc3: {  	s0 =	sadd.s32 $0x8F2B, s0  }
0xc4: {  	[sflag:s0] =	ssyncadd.remote.s32 $0x1  }
0xc5: {  	_ =	sfence.sel $0xFFFF  }
0xc6: {  	[dreg:$0x0] =	wrdreg $0xFFFFFFFF;
	(pc) =	sbr.abs _section_cstart, $3  }
0xc7: {  	[dreg:$0x1] =	wrdreg $0xFFFFFFFF  }
0xc8: {  	_ =	task.clear_ibuf [dreg:s8], $0x2FFFF;
	_ =	strace $0x9FFFFFFF  }
0xc9: {  	(tm) =	ssettm $0x7FFFFFFF  }
tec
execute0_lowered:
.L_overlay_start_1:
0x0: {  	(tag) =	ssettag $0x1  }
0x1: {  	s3 =	rddreg [dreg:$0x0]  }
0x2: {  	s4 =	rddreg [dreg:$0x1]  }
0x3: {  	s5 =	rddreg [dreg:$0x2]  }
0x4: {  	s2 =	srdreg.scid;
	s1 =	stileid.u32  }
0x5: {  	s0 =	rddreg [dreg:$0x3];
	s6 =	sand.u32 $0x1, s2;
	s7 =	sshll.u32 s1, $0x1  }
0x6: {  	v2 =	vlaneseq.u32;
	s10 =	simm.s32 $0x0;
	s2 =	simm.s32 $0x0;
	s7 =	sor.u32 s6, s7  }
0x7: {  	v0 =	vmul.u32 $0x8, v2;
	s6 =	ssub.s32 $0x2, s6;
	[smem:$0x7FF] =	sst s2;
	s8 =	sshll.u32 s7, $0xC  }
0x8: {  	s9 =	sshrl.u32 s6, $0x1;
	_ =	strace $0x80000047;
	s7 =	sshll.u32 s7, $0x9  }
0x9: {  	v1 =	vimm.f32 $0.0e+00;
	v2 =	vmul.u32 $0x40, v2;
	v3 =	vor.u32 $0x1, v0;
	s4 =	sadd.s32 s8, s4;
	s6 =	ssub.s32 s6, s9;
	s3 =	sadd.s32 s3, s8  }
0xa: {  	v4 =	vor.u32 $0x2, v0;
	v5 =	vor.u32 $0x3, v0;
	v6 =	vor.u32 $0x4, v0;
	s5 =	sadd.s32 s5, s7;
	s7 =	simm.s32 $0x1;
	s8 =	simm.s32 $0x8000  }
0xb: {  	v7 =	vor.u32 $0x5, v0;
	v8 =	vor.u32 $0x6, v0;
	v9 =	vor.u32 $0x7, v0;
	s9 =	simm.s32 $0x10000;
	s4 =	sadd.s32 $0xC00, s4;
	s6 =	smax.u32 s6, $0x1  }
.LBB2_1:
0xc: {  	[tilespmem:s2], [sflag:$0x1] =	stream.linear.gather [hbm4b:s3+s2], $0x8000, $0x38;
	[tilespmem:$0x11000] =	vst v63  }
0xd: {  	_ =	swait.ge [sflag:s7], $0x8000  }
0xe: {  	[sflag:s7] =	ssyncset.done $0x0  }
0xf: {  	s11 =	simm.s32 $0x40;
	s12 =	simm.s32 $0x0;
	[sflag:s7] =	ssyncadd.s32 $0xFFFF8000  }
.LBB2_2:
0x10: {  	p0 =	sne.s32 s11, $0x1FFC0;
	[tilespmem:s12+$0x8000] =	vst v1;
	s12 =	smov.u32 s11;
	s11 =	sadd.s32 $0x40, s11  }
.Ltmp0:
0x11: {  	(pc) =	sbr.rel @p0 .LBB2_2-.Ltmp0, $2  }
0x12: {  	_ =	sdelay $0x2  }
0x13: {  	s12 =	sshra.s32 s12, $0x2  }
0x14: {  	[tilespmem:s12+$0x8000] =	vst v1;
	s11 =	simm.s32 $0x0;
	s12 =	simm.s32 $0x0  }
.LBB2_4:
0x15: {  	s13 =	sshll.u32 s12, $0xA  }
0x16: {  	v10 =	vor.u32 s13, v2  }
0x17: {  	v11 =	vor.u32 s11, v10;
	_ =	sdelay $0x4  }
0x18: {  	s13 =	simm.s32 $0x1;
	v12 =	vld.idx.msk [tilespmem:v11+s2+$0x0], $0xffff  }
0x19: {  	v14 =	vor.u32 s13, v10;
	_ =	sdelay $0x2  }
0x1a: {  	v22 =	vimm.f32 $-Inf  }
0x1b: {  	vm0 =	vgt.f32 v12, v22  }
0x1c: {  	v11 =	vimm.s32 $0x0;
	v29 =	vld.idx.msk [tilespmem:v14+s2+$0x0], $0xffff;
	v13 =	vsel vm0, v22, v12  }
0x1d: {  	v30 =	vimm.f32 $-Inf;
	v17 =	vnsel vm0, s11, v11;
	vm1 =	vgt.f32 v13, v22  }
0x1e: {  	v23 =	vsel vm0, v12, v22;
	v15 =	vsel vm1, v22, v13;
	v16 =	vsel vm1, v11, v17  }
0x1f: {  	v26 =	vsel vm1, v13, v22;
	v17 =	vsel vm1, v17, v11;
	vm2 =	vgt.f32 v15, v22  }
0x20: {  	v18 =	vsel vm2, v22, v15;
	v19 =	vsel vm2, v11, v16;
	v12 =	vsel vm2, v16, v11  }
0x21: {  	v16 =	vsel vm0, s11, v11;
	vm0 =	vgt.f32 v29, v23;
	vm3 =	vgt.f32 v18, v22  }
0x22: {  	v24 =	vsel vm2, v15, v22;
	v32 =	vsel vm0, v23, v29;
	v15 =	vsel vm3, v22, v18  }
0x23: {  	v20 =	vnsel vm0, s13, v16;
	v25 =	vsel vm3, v18, v22;
	vm2 =	vgt.f32 v15, v22  }
0x24: {  	v14 =	vsel vm3, v11, v19;
	v13 =	vsel vm3, v19, v11;
	v18 =	vsel vm2, v22, v15  }
0x25: {  	v27 =	vsel vm2, v15, v22;
	v19 =	vsel vm2, v11, v14;
	vm3 =	vgt.f32 v18, v22  }
0x26: {  	v14 =	vsel vm2, v14, v11;
	v28 =	vsel vm3, v18, v22;
	v31 =	vsel vm3, v22, v18  }
0x27: {  	v15 =	vsel vm3, v19, v11;
	v18 =	vsel vm3, v11, v19;
	vm2 =	vgt.f32 v31, v22  }
0x28: {  	s14 =	simm.s32 $0x2;
	s15 =	simm.s32 $0x3;
	v19 =	vmovc v15;
	v33 =	vsel vm2, v22, v31;
	v21 =	vsel vm2, v11, v18;
	v18 =	vsel vm2, v18, v11  }
.LBB2_5:
0x29: {  	p0 =	sne.s32 s15, $0x3F;
	v34 =	vor.u32 s14, v10;
	vm1 =	vgt.f32 v32, v26;
	vm3 =	vgt.f32 v33, v22;
	s16 =	smov.u32 s15;
	s15 =	sadd.s32 $0x1, s15  }
0x2a: {  	v35 =	vsel vm1, v26, v32;
	v36 =	vsel vm1, v17, v20;
	v22 =	vsel vm3, v33, v22  }
0x2b: {  	v30 =	vsel vm2, v31, v30;
	v11 =	vsel vm3, v21, v11;
	vm4 =	vgt.f32 v35, v24  }
0x2c: {  	v23 =	vsel vm0, v29, v23;
	v21 =	vsel vm4, v24, v35;
	v31 =	vsel vm4, v12, v36  }
0x2d: {  	v26 =	vsel vm1, v32, v26;
	v24 =	vsel vm4, v35, v24;
	vm2 =	vgt.f32 v21, v25  }
0x2e: {  	v29 =	vld.idx.msk [tilespmem:v34+s2+$0x0], $0xffff;
	v32 =	vsel vm2, v25, v21;
	v25 =	vsel vm2, v21, v25;
	v21 =	vsel vm2, v13, v31  }
0x2f: {  	v12 =	vsel vm4, v36, v12;
	v13 =	vsel vm2, v31, v13;
	vm2 =	vgt.f32 v32, v27  }
0x30: {  	v33 =	vsel vm2, v27, v32;
	v27 =	vsel vm2, v32, v27;
	v32 =	vsel vm2, v14, v21  }
.Ltmp1:
0x31: {  	v16 =	vsel vm0, s13, v16;
	s13 =	smov.u32 s14;
	s14 =	smov.u32 s16;
	v14 =	vsel vm2, v21, v14;
	vm0 =	vgt.f32 v33, v28;
	(pc) =	sbr.rel @p0 .LBB2_5-.Ltmp1, $4  }
0x32: {  	v15 =	vsel vm0, v32, v15;
	v31 =	vsel vm0, v28, v33;
	v28 =	vsel vm0, v33, v28  }
0x33: {  	v17 =	vsel vm1, v20, v17;
	v34 =	vsel vm0, v19, v32;
	vm2 =	vgt.f32 v31, v30;
	v19 =	vmovc v15  }
0x34: {  	vm0 =	vgt.f32 v29, v23;
	v33 =	vsel vm2, v30, v31;
	v21 =	vsel vm2, v18, v34  }
0x35: {  	v32 =	vsel vm0, v23, v29;
	v20 =	vnsel vm0, s13, v16;
	v18 =	vsel vm2, v34, v18  }
0x36: {  	v34 =	vor.u32 s14, v10;
	vm1 =	vgt.f32 v32, v26  }
0x37: {  	v35 =	vsel vm1, v26, v32  }
0x38: {  	vm3 =	vgt.f32 v35, v24  }
0x39: {  	v36 =	vsel vm3, v24, v35  }
0x3a: {  	vm7 =	vgt.f32 v36, v25  }
0x3b: {  	v34 =	vld.idx.msk [tilespmem:v34+s2+$0x0], $0xffff;
	v37 =	vsel vm7, v25, v36  }
0x3c: {  	vm15 =	vgt.f32 v33, v22;
	v30 =	vsel vm2, v31, v30;
	vm10 =	vgt.f32 v37, v27  }
0x3d: {  	v23 =	vsel vm0, v29, v23;
	v62 =	vimm.s32 $0x0;
	v53 =	vsel vm10, v27, v37  }
0x3e: {  	v22 =	vsel vm15, v33, v22;
	v52 =	vsel vm1, v32, v26;
	vm13 =	vgt.f32 v53, v28  }
0x3f: {  	v54 =	vsel vm3, v35, v24;
	v55 =	vsel vm7, v36, v25;
	v56 =	vsel vm13, v28, v53  }
0x40: {  	v58 =	vsel vm10, v37, v27;
	vm14 =	vgt.f32 v34, v23;
	vm11 =	vgt.f32 v56, v30  }
0x41: {  	v59 =	vsel vm13, v53, v28;
	v57 =	vsel vm14, v23, v34;
	v60 =	vsel vm11, v30, v56  }
0x42: {  	v23 =	vsel vm14, v34, v23;
	v39 =	vsel vm11, v56, v30;
	vm8 =	vgt.f32 v57, v52  }
0x43: {  	v36 =	vsub.f32 v23, v23;
	v61 =	vsel vm8, v52, v57;
	v26 =	vsel vm8, v57, v52  }
0x44: {  	vm12 =	vgt.f32 v60, v22;
	vm5 =	vgt.f32 v61, v54;
	v26 =	vsub.f32 v26, v23  }
0x45: {  	v35 =	vsel vm12, $0xFFFFFFFF, v62;
	v32 =	vmul.f32 $1.442695020e+00, v36;
	v63 =	vsel vm5, v54, v61  }
0x46: {  	v24 =	vsel vm5, v61, v54;
	vm6 =	vgt.f32 v63, v55;
	v26 =	vmul.f32 $1.442695020e+00, v26  }
0x47: {  	v24 =	vsub.f32 v24, v23;
	(erf) = vpow2.f32 v32;
	v37 =	vsel vm6, v55, v63  }
0x48: {  	v25 =	vsel vm6, v63, v55;
	vm2 =	vgt.f32 v37, v58;
	(erf) = vpow2.f32 v26  }
0x49: {  	v24 =	vmul.f32 $1.442695020e+00, v24;
	v25 =	vsub.f32 v25, v23;
	v38 =	vsel vm2, v37, v58  }
0x4a: {  	v22 =	vsel vm12, v60, v22;
	v27 =	vsel vm2, v58, v37;
	v40 =	vsub.f32 v38, v23  }
0x4b: {  	vm12 =	vgt.f32 v27, v59;
	(erf) = vpow2.f32 v24;
	v41 =	vmul.f32 $1.442695020e+00, v25  }
0x4c: {  	v42 =	vsel vm12, v27, v59;
	v27 =	vsel vm12, v59, v27;
	v43 =	vmul.f32 $1.442695020e+00, v40  }
0x4d: {  	vm9 =	vgt.f32 v27, v39;
	(erf) = vpow2.f32 v41;
	v44 =	vsub.f32 v42, v23  }
0x4e: {  	v45 =	vsel vm9, v39, v27;
	v26 =	vsel vm9, v27, v39;
	(erf) = vpow2.f32 v43  }
0x4f: {  	v24 =	vmul.f32 $1.442695020e+00, v44;
	v26 =	vsub.f32 v26, v23;
	vm4 =	vgt.f32 v45, v22  }
0x50: {  	v22 =	vsel vm4, v45, v22  }
0x51: {  	v46 =	vpop (erf);
	(erf) = vpow2.f32 v24;
	v47 =	vmul.f32 $1.442695020e+00, v26;
	v22 =	vsub.f32 v22, v23  }
0x52: {  	v48 =	vpop (erf)  }
0x53: {  	(erf) = vpow2.f32 v47;
	v22 =	vmul.f32 $1.442695020e+00, v22;
	v49 =	vadd.f32 v48, v46  }
0x54: {  	v50 =	vpop (erf)  }
0x55: {  	(erf) = vpow2.f32 v22;
	v51 =	vadd.f32 v50, v49  }
0x56: {  	v24 =	vpop (erf)  }
0x57: {  	v22 =	vadd.f32 v24, v51  }
0x58: {  	v27 =	vpop (erf)  }
0x59: {  	v22 =	vadd.f32 v27, v22  }
0x5a: {  	v28 =	vpop (erf)  }
0x5b: {  	v22 =	vadd.f32 v28, v22  }
0x5c: {  	v29 =	vpop (erf)  }
0x5d: {  	v22 =	vadd.f32 v29, v22  }
0x5e: {  	v30 =	vpop (erf)  }
0x5f: {  	v22 =	vadd.f32 v30, v22;
	_ =	sdelay $0x1  }
0x60: {  	(erf) = vrcp.f32 v22;
	_ =	sdelay $0x1  }
0x61: {  	v16 =	vsel vm0, s13, v16  }
0x62: {  	s31 =	sshll.u32 s12, $0x7;
	v11 =	vsel vm15, v21, v11;
	v52 =	vsel vm1, v17, v20;
	v60 =	vsel vm14, s14, v16;
	[tilespmem:$0x1FFF0] =	vst v35  }
0x63: {  	v16 =	vnsel vm14, s14, v16;
	v53 =	vsel vm3, v12, v52;
	v36 =	vor.u32 s31, v0;
	v35 =	vld [tilespmem:$0x1FFF0]  }
0x64: {  	v54 =	vsel vm3, v52, v12;
	v56 =	vsel vm7, v53, v13;
	v55 =	vsel vm7, v13, v53  }
0x65: {  	v61 =	vadd.s32 v10, v60;
	v57 =	vsel vm10, v14, v55;
	v58 =	vsel vm10, v55, v14  }
0x66: {  	v15 =	vsel vm13, v57, v15;
	v19 =	vsel vm13, v19, v57;
	v59 =	vsel vm1, v20, v17  }
0x67: {  	v62 =	vsel vm11, v18, v19;
	v37 =	vsel vm11, v19, v18;
	v63 =	vsel vm8, v16, v59  }
0x68: {  	vm15 =	vnez.u8 v35;
	v16 =	vsel vm8, v59, v16;
	v39 =	vadd.s32 v10, v63;
	v38 =	vpop (erf)  }
0x69: {  	v41 =	vor.u32 s31, v3;
	v40 =	vsel vm5, v16, v54;
	v25 =	vmul.f32 v38, v46  }
0x6a: {  	v11 =	vsel vm15, v62, v11;
	v12 =	vsel vm5, v54, v16;
	v42 =	vadd.s32 v10, v40  }
0x6b: {  	v43 =	vsel vm6, v12, v56;
	v45 =	vor.u32 s31, v4;
	v44 =	vmul.f32 v38, v48;
	[tilespmem:v61+s8+$0x0] =	vst.idx.msk $0xffff, v25  }
0x6c: {  	v12 =	vsel vm6, v56, v12;
	v46 =	vadd.s32 v10, v43;
	[tilespmem:v36+s9+$0x0] =	vst.idx.msk $0xffff, v60  }
0x6d: {  	v47 =	vsel vm2, v12, v58;
	v49 =	vor.u32 s31, v5;
	v48 =	vmul.f32 v38, v50;
	[tilespmem:v39+s8+$0x0] =	vst.idx.msk $0xffff, v44  }
0x6e: {  	v12 =	vsel vm2, v58, v12;
	v50 =	vadd.s32 v10, v47;
	[tilespmem:v41+s9+$0x0] =	vst.idx.msk $0xffff, v63  }
0x6f: {  	v53 =	vor.u32 s31, v6;
	v51 =	vsel vm12, v12, v15;
	v52 =	vmul.f32 v38, v24;
	[tilespmem:v42+s8+$0x0] =	vst.idx.msk $0xffff, v48  }
0x70: {  	v12 =	vsel vm12, v15, v12;
	v54 =	vadd.s32 v10, v51;
	[tilespmem:v45+s9+$0x0] =	vst.idx.msk $0xffff, v40  }
0x71: {  	v57 =	vor.u32 s31, v7;
	v55 =	vsel vm9, v12, v37;
	v56 =	vmul.f32 v38, v27;
	[tilespmem:v46+s8+$0x0] =	vst.idx.msk $0xffff, v52  }
0x72: {  	v12 =	vsel vm9, v37, v12;
	v58 =	vadd.s32 v10, v55;
	[tilespmem:v49+s9+$0x0] =	vst.idx.msk $0xffff, v43  }
0x73: {  	v11 =	vsel vm4, v12, v11;
	v59 =	vmul.f32 v38, v28;
	v60 =	vor.u32 s31, v8;
	[tilespmem:v50+s8+$0x0] =	vst.idx.msk $0xffff, v56  }
0x74: {  	s12 =	sadd.s32 $0x1, s12;
	v10 =	vadd.s32 v10, v11;
	[tilespmem:v53+s9+$0x0] =	vst.idx.msk $0xffff, v47  }
0x75: {  	p0 =	sne.s32 s12, $0x20;
	v62 =	vor.u32 s31, v9;
	v61 =	vmul.f32 v38, v29;
	[tilespmem:v54+s8+$0x0] =	vst.idx.msk $0xffff, v59  }
.Ltmp2:
0x76: {  	[tilespmem:v57+s9+$0x0] =	vst.idx.msk $0xffff, v51;
	(pc) =	sbr.rel @p0 .LBB2_4-.Ltmp2, $4  }
0x77: {  	v63 =	vmul.f32 v38, v30;
	[tilespmem:v58+s8+$0x0] =	vst.idx.msk $0xffff, v61  }
0x78: {  	[tilespmem:v60+s9+$0x0] =	vst.idx.msk $0xffff, v55  }
0x79: {  	[tilespmem:v10+s8+$0x0] =	vst.idx.msk $0xffff, v63  }
0x7a: {  	[tilespmem:v62+s9+$0x0] =	vst.idx.msk $0xffff, v11  }
0x7b: {  	[hbm4b:s4+s2] =	stream.linear.scatter [tilespmem:s8], [sflag:$0x1], $0x8000, $0x38;
	[tilespmem:$0x11000] =	vst v63  }
0x7c: {  	s10 =	sadd.s32 $0x1, s10;
	_ =	swait.ge [sflag:s7], $0x8000  }
0x7d: {  	p0 =	sne.s32 s10, s6;
	[sflag:s7] =	ssyncset.done $0x0  }
.Ltmp3:
0x7e: {  	[sflag:s7] =	ssyncadd.s32 $0xFFFF8000;
	(pc) =	sbr.rel @p0 .LBB2_1-.Ltmp3, $4  }
0x7f: {  	[hbm4b:s5+s2] =	stream.linear.scatter [tilespmem:s9], [sflag:$0x1], $0x1000, $0x38;
	[tilespmem:$0x11000] =	vst v63  }
0x80: {  	_ =	swait.ge [sflag:s7], $0x1000  }
0x81: {  	[sflag:s7] =	ssyncset.done $0x0  }
0x82: {  	[sflag:s7] =	ssyncadd.s32 $0xFFFFF000  }
0x83: {  	_ =	sfence.sel $0x180000  }
0x84: {  	[bflag:$0x0] =	sbarrier.arrive $0xFFFF  }
0x85: {  	p0 =	sne.s32 s1, $0x0;
	_ =	strace $0x90000047  }
0x86: {  	s0 =	sadd.s32 @!p0 $0x100000, s0;
	[bflag:$0x2] =	sbarrier.arrive $0xFFFF  }
0x87: {  	[sflag:s0] =	ssyncadd.tile.s32 @!p0 $0x1;
	_ =	shalt  }
.Lfunc_end2:
_tile_overlayer_lowered:
.L_overlay_start_2:
0x88: {  	(tag) =	ssettag $0x2  }
0x89: {  	s0 =	rddreg [dreg:$0x0];
	s2 =	stileid.u32  }
0x8a: {  	s1 =	rddreg [dreg:$0x1];
	p0 =	sne.s32 s2, $0x0  }
0x8b: {  	s3 =	rddreg [dreg:$0x2];
	[bflag:$0x3] =	sbarrier.arrive $0xFFFF;
	s2 =	simm.s32 @!p0 $0x1C01  }
0x8c: {  	[timem:s3], [sflag:s2] =	dma.local @!p0 [hbm:s0], s1  }
0x8d: {  	s0 =	simm.s32 @!p0 $0x1  }
0x8e: {  	_ =	swait.ge @!p0 [sflag:s0], s1  }
0x8f: {  	s1 =	ssub.s32 @!p0 $0x0, s1;
	[sflag:s0] =	ssyncset.done @!p0 $0x0  }
0x90: {  	[sflag:s0] =	ssyncadd.s32 @!p0 s1  }
0x91: {  	[bflag:$0x3] =	sbarrier.arrive $0xFFFF  }
0x92: {  	_ =	shalt  }

</sc_bundles>
